<compile_context>
chip_gen: v7x
topology: tpu7x:2x2x1
jax: 0.10.2.dev20260603
libtpu: 0.0.44.dev20260713+nightly
codegen_flags: <defaults>
</compile_context>

<pallas_src>
import functools

import jax
import jax.numpy as jnp
from jax import lax
from jax.experimental import pallas as pl
from jax.experimental.pallas import tpu as pltpu
from jax.experimental.pallas import tpu_sc as plsc

_D = 64
_L = 128
_V = 1000000
_NW = 32


def _pack_table(table_t):
    blk = 16384
    grid = -(-_V // blk)

    def body(x_ref, o_ref):
        o_ref[:, : _D] = jnp.transpose(x_ref[...])

    return pl.pallas_call(
        body,
        grid=(grid,),
        in_specs=[pl.BlockSpec((_D, blk), lambda g: (0, g))],
        out_specs=pl.BlockSpec((blk, _L), lambda g: (g, 0)),
        out_shape=jax.ShapeDtypeStruct((_V, _L), jnp.float32),
    )(table_t)


def _sc_gather(scratch, ids_t):
    n_s, n_b = ids_t.shape
    b_groups = n_b // _L
    tasks_pw = n_s * b_groups // _NW
    supers_pw = tasks_pw // 8

    mesh = plsc.VectorSubcoreMesh(core_axis_name="c", subcore_axis_name="s")

    @functools.partial(
        pl.kernel,
        out_type=jax.ShapeDtypeStruct((n_s * n_b, _L), jnp.float32),
        mesh=mesh,
        scratch_types=[
            pltpu.VMEM((tasks_pw, _L), jnp.int32),
            pltpu.VMEM((_L, _L), jnp.float32),
            pltpu.VMEM((_L, _L), jnp.float32),
            pltpu.SemaphoreType.DMA,
            pltpu.SemaphoreType.DMA,
            pltpu.SemaphoreType.DMA,
            pltpu.SemaphoreType.DMA,
            pltpu.SemaphoreType.DMA,
        ],
        compiler_params=pltpu.CompilerParams(
            use_tc_tiling_on_sc=True, needs_layout_passes=False),
    )
    def k(scr, ids, out, ix_all, r0, r1, g0, g1, xs, o0, o1):
        wid = lax.axis_index("s") * 2 + lax.axis_index("c")
        rows = (r0, r1)
        gsem = (g0, g1)
        osem = (o0, o1)

        def stage(j, carry):
            g8 = wid * supers_pw + j
            s8 = g8 // b_groups
            b128 = g8 % b_groups
            pltpu.async_copy(
                ids.at[pl.ds(s8 * 8, 8), pl.ds(b128 * _L, _L)],
                ix_all.at[pl.ds(j * 8, 8)], xs)
            return carry

        lax.fori_loop(0, supers_pw, stage, 0)
        pltpu.make_async_copy(
            ids.at[pl.ds(0, tasks_pw), pl.ds(0, _L)], ix_all, xs).wait()

        def rowbase(t):
            g8 = wid * supers_pw + t // 8
            s = (g8 // b_groups) * 8 + t % 8
            return s * n_b + (g8 % b_groups) * _L

        def start_g(t, b):
            pltpu.async_copy(scr.at[ix_all.at[t]], rows[b], gsem[b])

        def wait_g(b):
            pltpu.make_async_copy(
                scr.at[pl.ds(0, _L)], rows[b], gsem[b]).wait()

        def start_o(t, b):
            pltpu.async_copy(
                rows[b], out.at[pl.ds(rowbase(t), _L)], osem[b])

        def wait_o(b):
            pltpu.make_async_copy(
                out.at[pl.ds(0, _L)], rows[b], osem[b]).wait()

        start_g(0, 0)
        start_g(1, 1)
        wait_g(0)
        start_o(0, 0)

        def body(i, carry):
            t_a = 2 * i + 1
            wait_o(0)
            start_g(t_a + 1, 0)
            wait_g(1)
            start_o(t_a, 1)
            wait_o(1)
            start_g(t_a + 2, 1)
            wait_g(0)
            start_o(t_a + 1, 0)
            return carry

        lax.fori_loop(0, (tasks_pw - 2) // 2, body, 0)
        wait_g(1)
        start_o(tasks_pw - 1, 1)
        wait_o(0)
        wait_o(1)

    return k(scratch, ids_t)


def _unpack_out(out128):
    n_s, n_b, blk = 200, 4096, 4096

    def body(x_ref, o_ref):
        o_ref[...] = jnp.transpose(x_ref[...])[: _D].reshape(1, _D, blk)

    return pl.pallas_call(
        body,
        grid=(n_s, n_b // blk),
        in_specs=[pl.BlockSpec((blk, _L), lambda s, b: (s * (n_b // blk) + b, 0))],
        out_specs=pl.BlockSpec((1, _D, blk), lambda s, b: (s, 0, b)),
        out_shape=jax.ShapeDtypeStruct((n_s, _D, n_b), jnp.float32),
    )(out128)


def kernel(input_ids, embedding_table):
    table_t = jnp.transpose(embedding_table)
    ids_t = jnp.transpose(input_ids.astype(jnp.int32))
    scratch = _pack_table(table_t)
    out128 = _sc_gather(scratch, ids_t)
    out3 = _unpack_out(out128)
    return jnp.transpose(out3, (2, 0, 1))

# --- scband reference (transcript-rebuilt; emitter-appended) ---
"""Pipeline reference for scband-basic-llm-26508538151207 (READ-ONLY COPY).

The authoritative reference and input builder live on the scoring server;
editing this copy changes nothing except your own understanding.
"""

import jax, jax.numpy as jnp
import numpy as np

VOCAB = 1000000
EMBED_DIM = 64

def setup_inputs(seed: int = 0) -> dict:
    key = jax.random.key(seed)
    k1, k2 = jax.random.split(key)
    input_ids = jax.random.randint(k1, (4096, 200), 0, VOCAB, dtype=jnp.int64)
    embedding_table = jax.random.normal(k2, (VOCAB, EMBED_DIM), dtype=jnp.float32)
    return {"input_ids": input_ids, "embedding_table": embedding_table}

def reference(input_ids, embedding_table):
    # nn.Embedding forward: gather rows of the table
    return jnp.take(embedding_table, input_ids, axis=0)

if __name__ == "__main__":
    import jax
    _d = setup_inputs()
    print(jax.jit(kernel)(*tuple(_d.values())))

</pallas_src>

<mosaic_0001>
#map = affine_map<(d0, d1) -> (0, 0)>
module attributes {stable_mosaic.version = 14 : i64} {
  func.func @k(%arg0: i32, %arg1: i32, %arg2: memref<1000000x128xf32, #tpu.memory_space<hbm>>, %arg3: memref<200x4096xi32, #tpu.memory_space<hbm>>, %arg4: memref<819200x128xf32, #tpu.memory_space<hbm>>, %arg5: memref<200x128xi32, #tpu.memory_space<vmem>>, %arg6: memref<128x128xf32, #tpu.memory_space<vmem>>, %arg7: memref<128x128xf32, #tpu.memory_space<vmem>>, %arg8: memref<!tpu.dma_semaphore, #tpu.memory_space<semaphore_mem>>, %arg9: memref<!tpu.dma_semaphore, #tpu.memory_space<semaphore_mem>>, %arg10: memref<!tpu.dma_semaphore, #tpu.memory_space<semaphore_mem>>, %arg11: memref<!tpu.dma_semaphore, #tpu.memory_space<semaphore_mem>>, %arg12: memref<!tpu.dma_semaphore, #tpu.memory_space<semaphore_mem>>) attributes {dimension_semantics = [#tpu.dimension_semantics<core_parallel>, #tpu.dimension_semantics<subcore_parallel>], iteration_bounds = array<i64: 2, 16>, scalar_prefetch = 0 : i64, scratch_operands = 8 : i64, tpu.core_type = #tpu.core_type<sc_vector_subcore>, window_params = [{transform_indices = #map}, {transform_indices = #map}, {transform_indices = #map}]} {
    %mul3A = arith.constant 2 : i32
    %mul3A_0 = arith.muli %arg1, %mul3A : i32
    %add3A = arith.addi %mul3A_0, %arg0 : i32
    %scan3A = arith.constant 0 : i32
    %scan3A_1 = arith.constant 0 : i32
    %scan3A_2 = arith.constant 25 : i32
    %scan3A_3 = arith.addi %scan3A_1, %scan3A_2 : i32
    %scan3A_4 = arith.constant 1 : i32
    scf.for %scan3A_158 = %scan3A_1 to %scan3A_3 step %scan3A_4  : i32 {
      %mul3A_159 = arith.constant 25 : i32
      %mul3A_160 = arith.muli %add3A, %mul3A_159 : i32
      %add3A_161 = arith.addi %mul3A_160, %scan3A_158 : i32
      %jit3A_162 = arith.constant 32 : i32
      %div3A_163 = arith.divsi %add3A_161, %jit3A_162 : i32
      %sign3A_164 = arith.constant 0 : i32
      %sign3A_165 = arith.cmpi sgt, %add3A_161, %sign3A_164 : i32
      %sign3A_166 = arith.extui %sign3A_165 : i1 to i32
      %sign3A_167 = arith.constant 0 : i32
      %sign3A_168 = arith.cmpi slt, %add3A_161, %sign3A_167 : i32
      %sign3A_169 = arith.extui %sign3A_168 : i1 to i32
      %sign3A_170 = arith.subi %sign3A_166, %sign3A_169 : i32
      %sign3A_171 = arith.constant 0 : i32
      %sign3A_172 = arith.cmpi sgt, %jit3A_162, %sign3A_171 : i32
      %sign3A_173 = arith.extui %sign3A_172 : i1 to i32
      %sign3A_174 = arith.constant 0 : i32
      %sign3A_175 = arith.cmpi slt, %jit3A_162, %sign3A_174 : i32
      %sign3A_176 = arith.extui %sign3A_175 : i1 to i32
      %sign3A_177 = arith.subi %sign3A_173, %sign3A_176 : i32
      %ne3A_178 = arith.cmpi ne, %sign3A_170, %sign3A_177 : i32
      %rem3A_179 = arith.remsi %add3A_161, %jit3A_162 : i32
      %ne3A_180 = arith.constant 0 : i32
      %ne3A_181 = arith.cmpi ne, %rem3A_179, %ne3A_180 : i32
      %and3A_182 = arith.andi %ne3A_178, %ne3A_181 : i1
      %sub3A_183 = arith.constant 1 : i32
      %sub3A_184 = arith.subi %div3A_163, %sub3A_183 : i32
      %select_n3A_185 = arith.select %and3A_182, %sub3A_184, %div3A_163 : i32
      %jit3A_186 = arith.constant 32 : i32
      %eq3A_187 = arith.constant 0 : i32
      %eq3A_188 = arith.cmpi eq, %jit3A_186, %eq3A_187 : i32
      %jit3A_189 = arith.constant 1 : i32
      %select_n3A_190 = arith.select %eq3A_188, %jit3A_189, %jit3A_186 : i32
      %rem3A_191 = arith.remsi %add3A_161, %select_n3A_190 : i32
      %ne3A_192 = arith.constant 0 : i32
      %ne3A_193 = arith.cmpi ne, %rem3A_191, %ne3A_192 : i32
      %lt3A_194 = arith.constant 0 : i32
      %lt3A_195 = arith.cmpi slt, %rem3A_191, %lt3A_194 : i32
      %lt3A_196 = arith.constant 0 : i32
      %lt3A_197 = arith.cmpi slt, %select_n3A_190, %lt3A_196 : i32
      %ne3A_198 = arith.xori %lt3A_195, %lt3A_197 : i1
      %and3A_199 = arith.andi %ne3A_198, %ne3A_193 : i1
      %add3A_200 = arith.addi %rem3A_191, %select_n3A_190 : i32
      %select_n3A_201 = arith.select %and3A_199, %add3A_200, %rem3A_191 : i32
      %mul3A_202 = arith.constant 8 : i32
      %mul3A_203 = arith.muli %select_n3A_185, %mul3A_202 : i32
      %mul3A_204 = arith.constant 128 : i32
      %mul3A_205 = arith.muli %select_n3A_201, %mul3A_204 : i32
      %mul3A_206 = arith.constant 8 : i32
      %mul3A_207 = arith.muli %scan3A_158, %mul3A_206 : i32
      %dma_start3A_208 = arith.constant 0 : i32
      %dma_start3A_209 = tpu.memref_slice %arg5[%mul3A_207, %dma_start3A_208] : memref<200x128xi32, #tpu.memory_space<vmem>> -> memref<8x128xi32, #tpu.memory_space<vmem>>
      %dma_start3A_210 = tpu.memref_slice %arg3[%mul3A_203, %mul3A_205] : memref<200x4096xi32, #tpu.memory_space<hbm>> -> memref<8x128xi32, #tpu.memory_space<hbm>>
      %dma_start3A_211 = arith.constant 0 : i32
      %dma_start3A_212 = tpu.memref_slice %arg5[%mul3A_207, %dma_start3A_211] : memref<200x128xi32, #tpu.memory_space<vmem>> -> memref<8x128xi32, #tpu.memory_space<vmem>>
      %dma_start3A_213 = tpu.memref_slice %arg3[%mul3A_203, %mul3A_205] : memref<200x4096xi32, #tpu.memory_space<hbm>> -> memref<8x128xi32, #tpu.memory_space<hbm>>
      tpu.enqueue_dma source(%dma_start3A_213 : memref<8x128xi32, #tpu.memory_space<hbm>>) target(%dma_start3A_212 : memref<8x128xi32, #tpu.memory_space<vmem>>) target_semaphore(%arg10 : memref<!tpu.dma_semaphore, #tpu.memory_space<semaphore_mem>>)
    }
    %scan3A_5 = arith.constant 25 : i32
    %dma_wait3A = arith.constant 0 : i32
    %dma_wait3A_6 = arith.constant 0 : i32
    %dma_wait3A_7 = tpu.memref_slice %arg3[%dma_wait3A, %dma_wait3A_6] : memref<200x4096xi32, #tpu.memory_space<hbm>> -> memref<200x128xi32, #tpu.memory_space<hbm>>
    %dma_wait3A_8 = arith.constant 0 : i32
    %dma_wait3A_9 = arith.constant 0 : i32
    %dma_wait3A_10 = tpu.memref_slice %arg3[%dma_wait3A_8, %dma_wait3A_9] : memref<200x4096xi32, #tpu.memory_space<hbm>> -> memref<200x128xi32, #tpu.memory_space<hbm>>
    tpu.wait_dma2 semaphore(%arg10 : memref<!tpu.dma_semaphore, #tpu.memory_space<semaphore_mem>>) src(%dma_wait3A_10 : memref<200x128xi32, #tpu.memory_space<hbm>>) dst(%arg5 : memref<200x128xi32, #tpu.memory_space<vmem>>)
    %dma_start3A = arith.constant 0 : i32
    %dma_start3A_11 = arith.constant 0 : i32
    %dma_start3A_12 = tpu.memref_slice %arg5[%dma_start3A, %dma_start3A_11] : memref<200x128xi32, #tpu.memory_space<vmem>> -> memref<1x128xi32, #tpu.memory_space<vmem>>
    %dma_start3A_13 = tpu.memref_squeeze %dma_start3A_12 : memref<1x128xi32, #tpu.memory_space<vmem>> -> memref<128xi32, #tpu.memory_space<vmem>>
    %dma_start3A_14 = arith.constant 0 : i32
    %dma_start3A_15 = arith.constant 0 : i32
    %dma_start3A_16 = tpu.memref_slice %arg2[%dma_start3A_14, %dma_start3A_15] : memref<1000000x128xf32, #tpu.memory_space<hbm>> -> memref<1000000x128xf32, #tpu.memory_space<hbm>>
    tpu.enqueue_indirect_dma source(%dma_start3A_16 : memref<1000000x128xf32, #tpu.memory_space<hbm>>) target(%arg6 : memref<128x128xf32, #tpu.memory_space<vmem>>) offsets(%dma_start3A_13 : memref<128xi32, #tpu.memory_space<vmem>>) semaphore(%arg8 : memref<!tpu.dma_semaphore, #tpu.memory_space<semaphore_mem>>)
    %dma_start3A_17 = arith.constant 1 : i32
    %dma_start3A_18 = arith.constant 0 : i32
    %dma_start3A_19 = tpu.memref_slice %arg5[%dma_start3A_17, %dma_start3A_18] : memref<200x128xi32, #tpu.memory_space<vmem>> -> memref<1x128xi32, #tpu.memory_space<vmem>>
    %dma_start3A_20 = tpu.memref_squeeze %dma_start3A_19 : memref<1x128xi32, #tpu.memory_space<vmem>> -> memref<128xi32, #tpu.memory_space<vmem>>
    %dma_start3A_21 = arith.constant 0 : i32
    %dma_start3A_22 = arith.constant 0 : i32
    %dma_start3A_23 = tpu.memref_slice %arg2[%dma_start3A_21, %dma_start3A_22] : memref<1000000x128xf32, #tpu.memory_space<hbm>> -> memref<1000000x128xf32, #tpu.memory_space<hbm>>
    tpu.enqueue_indirect_dma source(%dma_start3A_23 : memref<1000000x128xf32, #tpu.memory_space<hbm>>) target(%arg7 : memref<128x128xf32, #tpu.memory_space<vmem>>) offsets(%dma_start3A_20 : memref<128xi32, #tpu.memory_space<vmem>>) semaphore(%arg9 : memref<!tpu.dma_semaphore, #tpu.memory_space<semaphore_mem>>)
    %dma_wait3A_24 = arith.constant 0 : i32
    %dma_wait3A_25 = arith.constant 0 : i32
    %dma_wait3A_26 = tpu.memref_slice %arg2[%dma_wait3A_24, %dma_wait3A_25] : memref<1000000x128xf32, #tpu.memory_space<hbm>> -> memref<128x128xf32, #tpu.memory_space<hbm>>
    %dma_wait3A_27 = arith.constant 0 : i32
    %dma_wait3A_28 = arith.constant 0 : i32
    %dma_wait3A_29 = tpu.memref_slice %arg2[%dma_wait3A_27, %dma_wait3A_28] : memref<1000000x128xf32, #tpu.memory_space<hbm>> -> memref<128x128xf32, #tpu.memory_space<hbm>>
    tpu.wait_dma2 semaphore(%arg8 : memref<!tpu.dma_semaphore, #tpu.memory_space<semaphore_mem>>) src(%dma_wait3A_29 : memref<128x128xf32, #tpu.memory_space<hbm>>) dst(%arg6 : memref<128x128xf32, #tpu.memory_space<vmem>>)
    %mul3A_30 = arith.constant 25 : i32
    %mul3A_31 = arith.muli %add3A, %mul3A_30 : i32
    %add3A_32 = arith.constant 0 : i32
    %add3A_33 = arith.addi %mul3A_31, %add3A_32 : i32
    %jit3A = arith.constant 32 : i32
    %div3A = arith.divsi %add3A_33, %jit3A : i32
    %sign3A = arith.constant 0 : i32
    %sign3A_34 = arith.cmpi sgt, %add3A_33, %sign3A : i32
    %sign3A_35 = arith.extui %sign3A_34 : i1 to i32
    %sign3A_36 = arith.constant 0 : i32
    %sign3A_37 = arith.cmpi slt, %add3A_33, %sign3A_36 : i32
    %sign3A_38 = arith.extui %sign3A_37 : i1 to i32
    %sign3A_39 = arith.subi %sign3A_35, %sign3A_38 : i32
    %sign3A_40 = arith.constant 0 : i32
    %sign3A_41 = arith.cmpi sgt, %jit3A, %sign3A_40 : i32
    %sign3A_42 = arith.extui %sign3A_41 : i1 to i32
    %sign3A_43 = arith.constant 0 : i32
    %sign3A_44 = arith.cmpi slt, %jit3A, %sign3A_43 : i32
    %sign3A_45 = arith.extui %sign3A_44 : i1 to i32
    %sign3A_46 = arith.subi %sign3A_42, %sign3A_45 : i32
    %ne3A = arith.cmpi ne, %sign3A_39, %sign3A_46 : i32
    %rem3A = arith.remsi %add3A_33, %jit3A : i32
    %ne3A_47 = arith.constant 0 : i32
    %ne3A_48 = arith.cmpi ne, %rem3A, %ne3A_47 : i32
    %and3A = arith.andi %ne3A, %ne3A_48 : i1
    %sub3A = arith.constant 1 : i32
    %sub3A_49 = arith.subi %div3A, %sub3A : i32
    %select_n3A = arith.select %and3A, %sub3A_49, %div3A : i32
    %mul3A_50 = arith.constant 8 : i32
    %mul3A_51 = arith.muli %select_n3A, %mul3A_50 : i32
    %add3A_52 = arith.constant 0 : i32
    %add3A_53 = arith.addi %mul3A_51, %add3A_52 : i32
    %mul3A_54 = arith.constant 4096 : i32
    %mul3A_55 = arith.muli %add3A_53, %mul3A_54 : i32
    %jit3A_56 = arith.constant 32 : i32
    %eq3A = arith.constant 0 : i32
    %eq3A_57 = arith.cmpi eq, %jit3A_56, %eq3A : i32
    %jit3A_58 = arith.constant 1 : i32
    %select_n3A_59 = arith.select %eq3A_57, %jit3A_58, %jit3A_56 : i32
    %rem3A_60 = arith.remsi %add3A_33, %select_n3A_59 : i32
    %ne3A_61 = arith.constant 0 : i32
    %ne3A_62 = arith.cmpi ne, %rem3A_60, %ne3A_61 : i32
    %lt3A = arith.constant 0 : i32
    %lt3A_63 = arith.cmpi slt, %rem3A_60, %lt3A : i32
    %lt3A_64 = arith.constant 0 : i32
    %lt3A_65 = arith.cmpi slt, %select_n3A_59, %lt3A_64 : i32
    %ne3A_66 = arith.xori %lt3A_63, %lt3A_65 : i1
    %and3A_67 = arith.andi %ne3A_66, %ne3A_62 : i1
    %add3A_68 = arith.addi %rem3A_60, %select_n3A_59 : i32
    %select_n3A_69 = arith.select %and3A_67, %add3A_68, %rem3A_60 : i32
    %mul3A_70 = arith.constant 128 : i32
    %mul3A_71 = arith.muli %select_n3A_69, %mul3A_70 : i32
    %add3A_72 = arith.addi %mul3A_55, %mul3A_71 : i32
    %dma_start3A_73 = arith.constant 0 : i32
    %dma_start3A_74 = tpu.memref_slice %arg4[%add3A_72, %dma_start3A_73] : memref<819200x128xf32, #tpu.memory_space<hbm>> -> memref<128x128xf32, #tpu.memory_space<hbm>>
    %dma_start3A_75 = arith.constant 0 : i32
    %dma_start3A_76 = tpu.memref_slice %arg4[%add3A_72, %dma_start3A_75] : memref<819200x128xf32, #tpu.memory_space<hbm>> -> memref<128x128xf32, #tpu.memory_space<hbm>>
    tpu.enqueue_dma source(%arg6 : memref<128x128xf32, #tpu.memory_space<vmem>>) target(%dma_start3A_76 : memref<128x128xf32, #tpu.memory_space<hbm>>) target_semaphore(%arg11 : memref<!tpu.dma_semaphore, #tpu.memory_space<semaphore_mem>>)
    %scan3A_77 = arith.constant 0 : i32
    %scan3A_78 = arith.constant 0 : i32
    %scan3A_79 = arith.constant 99 : i32
    %scan3A_80 = arith.addi %scan3A_78, %scan3A_79 : i32
    %scan3A_81 = arith.constant 1 : i32
    scf.for %scan3A_158 = %scan3A_78 to %scan3A_80 step %scan3A_81  : i32 {
      %mul3A_159 = arith.constant 2 : i32
      %mul3A_160 = arith.muli %mul3A_159, %scan3A_158 : i32
      %add3A_161 = arith.constant 1 : i32
      %add3A_162 = arith.addi %mul3A_160, %add3A_161 : i32
      %dma_wait3A_163 = arith.constant 0 : i32
      %dma_wait3A_164 = arith.constant 0 : i32
      %dma_wait3A_165 = tpu.memref_slice %arg4[%dma_wait3A_163, %dma_wait3A_164] : memref<819200x128xf32, #tpu.memory_space<hbm>> -> memref<128x128xf32, #tpu.memory_space<hbm>>
      %dma_wait3A_166 = arith.constant 0 : i32
      %dma_wait3A_167 = arith.constant 0 : i32
      %dma_wait3A_168 = tpu.memref_slice %arg4[%dma_wait3A_166, %dma_wait3A_167] : memref<819200x128xf32, #tpu.memory_space<hbm>> -> memref<128x128xf32, #tpu.memory_space<hbm>>
      tpu.wait_dma2 semaphore(%arg11 : memref<!tpu.dma_semaphore, #tpu.memory_space<semaphore_mem>>) src(%dma_wait3A_168 : memref<128x128xf32, #tpu.memory_space<hbm>>) dst(%arg6 : memref<128x128xf32, #tpu.memory_space<vmem>>)
      %add3A_169 = arith.constant 1 : i32
      %add3A_170 = arith.addi %add3A_162, %add3A_169 : i32
      %dma_start3A_171 = arith.constant 0 : i32
      %dma_start3A_172 = tpu.memref_slice %arg5[%add3A_170, %dma_start3A_171] : memref<200x128xi32, #tpu.memory_space<vmem>> -> memref<1x128xi32, #tpu.memory_space<vmem>>
      %dma_start3A_173 = tpu.memref_squeeze %dma_start3A_172 : memref<1x128xi32, #tpu.memory_space<vmem>> -> memref<128xi32, #tpu.memory_space<vmem>>
      %dma_start3A_174 = arith.constant 0 : i32
      %dma_start3A_175 = arith.constant 0 : i32
      %dma_start3A_176 = tpu.memref_slice %arg2[%dma_start3A_174, %dma_start3A_175] : memref<1000000x128xf32, #tpu.memory_space<hbm>> -> memref<1000000x128xf32, #tpu.memory_space<hbm>>
      tpu.enqueue_indirect_dma source(%dma_start3A_176 : memref<1000000x128xf32, #tpu.memory_space<hbm>>) target(%arg6 : memref<128x128xf32, #tpu.memory_space<vmem>>) offsets(%dma_start3A_173 : memref<128xi32, #tpu.memory_space<vmem>>) semaphore(%arg8 : memref<!tpu.dma_semaphore, #tpu.memory_space<semaphore_mem>>)
      %dma_wait3A_177 = arith.constant 0 : i32
      %dma_wait3A_178 = arith.constant 0 : i32
      %dma_wait3A_179 = tpu.memref_slice %arg2[%dma_wait3A_177, %dma_wait3A_178] : memref<1000000x128xf32, #tpu.memory_space<hbm>> -> memref<128x128xf32, #tpu.memory_space<hbm>>
      %dma_wait3A_180 = arith.constant 0 : i32
      %dma_wait3A_181 = arith.constant 0 : i32
      %dma_wait3A_182 = tpu.memref_slice %arg2[%dma_wait3A_180, %dma_wait3A_181] : memref<1000000x128xf32, #tpu.memory_space<hbm>> -> memref<128x128xf32, #tpu.memory_space<hbm>>
      tpu.wait_dma2 semaphore(%arg9 : memref<!tpu.dma_semaphore, #tpu.memory_space<semaphore_mem>>) src(%dma_wait3A_182 : memref<128x128xf32, #tpu.memory_space<hbm>>) dst(%arg7 : memref<128x128xf32, #tpu.memory_space<vmem>>)
      %mul3A_183 = arith.constant 25 : i32
      %mul3A_184 = arith.muli %add3A, %mul3A_183 : i32
      %jit3A_185 = arith.constant 8 : i32
      %div3A_186 = arith.divsi %add3A_162, %jit3A_185 : i32
      %sign3A_187 = arith.constant 0 : i32
      %sign3A_188 = arith.cmpi sgt, %add3A_162, %sign3A_187 : i32
      %sign3A_189 = arith.extui %sign3A_188 : i1 to i32
      %sign3A_190 = arith.constant 0 : i32
      %sign3A_191 = arith.cmpi slt, %add3A_162, %sign3A_190 : i32
      %sign3A_192 = arith.extui %sign3A_191 : i1 to i32
      %sign3A_193 = arith.subi %sign3A_189, %sign3A_192 : i32
      %sign3A_194 = arith.constant 0 : i32
      %sign3A_195 = arith.cmpi sgt, %jit3A_185, %sign3A_194 : i32
      %sign3A_196 = arith.extui %sign3A_195 : i1 to i32
      %sign3A_197 = arith.constant 0 : i32
      %sign3A_198 = arith.cmpi slt, %jit3A_185, %sign3A_197 : i32
      %sign3A_199 = arith.extui %sign3A_198 : i1 to i32
      %sign3A_200 = arith.subi %sign3A_196, %sign3A_199 : i32
      %ne3A_201 = arith.cmpi ne, %sign3A_193, %sign3A_200 : i32
      %rem3A_202 = arith.remsi %add3A_162, %jit3A_185 : i32
      %ne3A_203 = arith.constant 0 : i32
      %ne3A_204 = arith.cmpi ne, %rem3A_202, %ne3A_203 : i32
      %and3A_205 = arith.andi %ne3A_201, %ne3A_204 : i1
      %sub3A_206 = arith.constant 1 : i32
      %sub3A_207 = arith.subi %div3A_186, %sub3A_206 : i32
      %select_n3A_208 = arith.select %and3A_205, %sub3A_207, %div3A_186 : i32
      %add3A_209 = arith.addi %mul3A_184, %select_n3A_208 : i32
      %jit3A_210 = arith.constant 32 : i32
      %div3A_211 = arith.divsi %add3A_209, %jit3A_210 : i32
      %sign3A_212 = arith.constant 0 : i32
      %sign3A_213 = arith.cmpi sgt, %add3A_209, %sign3A_212 : i32
      %sign3A_214 = arith.extui %sign3A_213 : i1 to i32
      %sign3A_215 = arith.constant 0 : i32
      %sign3A_216 = arith.cmpi slt, %add3A_209, %sign3A_215 : i32
      %sign3A_217 = arith.extui %sign3A_216 : i1 to i32
      %sign3A_218 = arith.subi %sign3A_214, %sign3A_217 : i32
      %sign3A_219 = arith.constant 0 : i32
      %sign3A_220 = arith.cmpi sgt, %jit3A_210, %sign3A_219 : i32
      %sign3A_221 = arith.extui %sign3A_220 : i1 to i32
      %sign3A_222 = arith.constant 0 : i32
      %sign3A_223 = arith.cmpi slt, %jit3A_210, %sign3A_222 : i32
      %sign3A_224 = arith.extui %sign3A_223 : i1 to i32
      %sign3A_225 = arith.subi %sign3A_221, %sign3A_224 : i32
      %ne3A_226 = arith.cmpi ne, %sign3A_218, %sign3A_225 : i32
      %rem3A_227 = arith.remsi %add3A_209, %jit3A_210 : i32
      %ne3A_228 = arith.constant 0 : i32
      %ne3A_229 = arith.cmpi ne, %rem3A_227, %ne3A_228 : i32
      %and3A_230 = arith.andi %ne3A_226, %ne3A_229 : i1
      %sub3A_231 = arith.constant 1 : i32
      %sub3A_232 = arith.subi %div3A_211, %sub3A_231 : i32
      %select_n3A_233 = arith.select %and3A_230, %sub3A_232, %div3A_211 : i32
      %mul3A_234 = arith.constant 8 : i32
      %mul3A_235 = arith.muli %select_n3A_233, %mul3A_234 : i32
      %jit3A_236 = arith.constant 8 : i32
      %eq3A_237 = arith.constant 0 : i32
      %eq3A_238 = arith.cmpi eq, %jit3A_236, %eq3A_237 : i32
      %jit3A_239 = arith.constant 1 : i32
      %select_n3A_240 = arith.select %eq3A_238, %jit3A_239, %jit3A_236 : i32
      %rem3A_241 = arith.remsi %add3A_162, %select_n3A_240 : i32
      %ne3A_242 = arith.constant 0 : i32
      %ne3A_243 = arith.cmpi ne, %rem3A_241, %ne3A_242 : i32
      %lt3A_244 = arith.constant 0 : i32
      %lt3A_245 = arith.cmpi slt, %rem3A_241, %lt3A_244 : i32
      %lt3A_246 = arith.constant 0 : i32
      %lt3A_247 = arith.cmpi slt, %select_n3A_240, %lt3A_246 : i32
      %ne3A_248 = arith.xori %lt3A_245, %lt3A_247 : i1
      %and3A_249 = arith.andi %ne3A_248, %ne3A_243 : i1
      %add3A_250 = arith.addi %rem3A_241, %select_n3A_240 : i32
      %select_n3A_251 = arith.select %and3A_249, %add3A_250, %rem3A_241 : i32
      %add3A_252 = arith.addi %mul3A_235, %select_n3A_251 : i32
      %mul3A_253 = arith.constant 4096 : i32
      %mul3A_254 = arith.muli %add3A_252, %mul3A_253 : i32
      %jit3A_255 = arith.constant 32 : i32
      %eq3A_256 = arith.constant 0 : i32
      %eq3A_257 = arith.cmpi eq, %jit3A_255, %eq3A_256 : i32
      %jit3A_258 = arith.constant 1 : i32
      %select_n3A_259 = arith.select %eq3A_257, %jit3A_258, %jit3A_255 : i32
      %rem3A_260 = arith.remsi %add3A_209, %select_n3A_259 : i32
      %ne3A_261 = arith.constant 0 : i32
      %ne3A_262 = arith.cmpi ne, %rem3A_260, %ne3A_261 : i32
      %lt3A_263 = arith.constant 0 : i32
      %lt3A_264 = arith.cmpi slt, %rem3A_260, %lt3A_263 : i32
      %lt3A_265 = arith.constant 0 : i32
      %lt3A_266 = arith.cmpi slt, %select_n3A_259, %lt3A_265 : i32
      %ne3A_267 = arith.xori %lt3A_264, %lt3A_266 : i1
      %and3A_268 = arith.andi %ne3A_267, %ne3A_262 : i1
      %add3A_269 = arith.addi %rem3A_260, %select_n3A_259 : i32
      %select_n3A_270 = arith.select %and3A_268, %add3A_269, %rem3A_260 : i32
      %mul3A_271 = arith.constant 128 : i32
      %mul3A_272 = arith.muli %select_n3A_270, %mul3A_271 : i32
      %add3A_273 = arith.addi %mul3A_254, %mul3A_272 : i32
      %dma_start3A_274 = arith.constant 0 : i32
      %dma_start3A_275 = tpu.memref_slice %arg4[%add3A_273, %dma_start3A_274] : memref<819200x128xf32, #tpu.memory_space<hbm>> -> memref<128x128xf32, #tpu.memory_space<hbm>>
      %dma_start3A_276 = arith.constant 0 : i32
      %dma_start3A_277 = tpu.memref_slice %arg4[%add3A_273, %dma_start3A_276] : memref<819200x128xf32, #tpu.memory_space<hbm>> -> memref<128x128xf32, #tpu.memory_space<hbm>>
      tpu.enqueue_dma source(%arg7 : memref<128x128xf32, #tpu.memory_space<vmem>>) target(%dma_start3A_277 : memref<128x128xf32, #tpu.memory_space<hbm>>) target_semaphore(%arg12 : memref<!tpu.dma_semaphore, #tpu.memory_space<semaphore_mem>>)
      %dma_wait3A_278 = arith.constant 0 : i32
      %dma_wait3A_279 = arith.constant 0 : i32
      %dma_wait3A_280 = tpu.memref_slice %arg4[%dma_wait3A_278, %dma_wait3A_279] : memref<819200x128xf32, #tpu.memory_space<hbm>> -> memref<128x128xf32, #tpu.memory_space<hbm>>
      %dma_wait3A_281 = arith.constant 0 : i32
      %dma_wait3A_282 = arith.constant 0 : i32
      %dma_wait3A_283 = tpu.memref_slice %arg4[%dma_wait3A_281, %dma_wait3A_282] : memref<819200x128xf32, #tpu.memory_space<hbm>> -> memref<128x128xf32, #tpu.memory_space<hbm>>
      tpu.wait_dma2 semaphore(%arg12 : memref<!tpu.dma_semaphore, #tpu.memory_space<semaphore_mem>>) src(%dma_wait3A_283 : memref<128x128xf32, #tpu.memory_space<hbm>>) dst(%arg7 : memref<128x128xf32, #tpu.memory_space<vmem>>)
      %add3A_284 = arith.constant 2 : i32
      %add3A_285 = arith.addi %add3A_162, %add3A_284 : i32
      %dma_start3A_286 = arith.constant 0 : i32
      %dma_start3A_287 = tpu.memref_slice %arg5[%add3A_285, %dma_start3A_286] : memref<200x128xi32, #tpu.memory_space<vmem>> -> memref<1x128xi32, #tpu.memory_space<vmem>>
      %dma_start3A_288 = tpu.memref_squeeze %dma_start3A_287 : memref<1x128xi32, #tpu.memory_space<vmem>> -> memref<128xi32, #tpu.memory_space<vmem>>
      %dma_start3A_289 = arith.constant 0 : i32
      %dma_start3A_290 = arith.constant 0 : i32
      %dma_start3A_291 = tpu.memref_slice %arg2[%dma_start3A_289, %dma_start3A_290] : memref<1000000x128xf32, #tpu.memory_space<hbm>> -> memref<1000000x128xf32, #tpu.memory_space<hbm>>
      tpu.enqueue_indirect_dma source(%dma_start3A_291 : memref<1000000x128xf32, #tpu.memory_space<hbm>>) target(%arg7 : memref<128x128xf32, #tpu.memory_space<vmem>>) offsets(%dma_start3A_288 : memref<128xi32, #tpu.memory_space<vmem>>) semaphore(%arg9 : memref<!tpu.dma_semaphore, #tpu.memory_space<semaphore_mem>>)
      %dma_wait3A_292 = arith.constant 0 : i32
      %dma_wait3A_293 = arith.constant 0 : i32
      %dma_wait3A_294 = tpu.memref_slice %arg2[%dma_wait3A_292, %dma_wait3A_293] : memref<1000000x128xf32, #tpu.memory_space<hbm>> -> memref<128x128xf32, #tpu.memory_space<hbm>>
      %dma_wait3A_295 = arith.constant 0 : i32
      %dma_wait3A_296 = arith.constant 0 : i32
      %dma_wait3A_297 = tpu.memref_slice %arg2[%dma_wait3A_295, %dma_wait3A_296] : memref<1000000x128xf32, #tpu.memory_space<hbm>> -> memref<128x128xf32, #tpu.memory_space<hbm>>
      tpu.wait_dma2 semaphore(%arg8 : memref<!tpu.dma_semaphore, #tpu.memory_space<semaphore_mem>>) src(%dma_wait3A_297 : memref<128x128xf32, #tpu.memory_space<hbm>>) dst(%arg6 : memref<128x128xf32, #tpu.memory_space<vmem>>)
      %add3A_298 = arith.constant 1 : i32
      %add3A_299 = arith.addi %add3A_162, %add3A_298 : i32
      %mul3A_300 = arith.constant 25 : i32
      %mul3A_301 = arith.muli %add3A, %mul3A_300 : i32
      %jit3A_302 = arith.constant 8 : i32
      %div3A_303 = arith.divsi %add3A_299, %jit3A_302 : i32
      %sign3A_304 = arith.constant 0 : i32
      %sign3A_305 = arith.cmpi sgt, %add3A_299, %sign3A_304 : i32
      %sign3A_306 = arith.extui %sign3A_305 : i1 to i32
      %sign3A_307 = arith.constant 0 : i32
      %sign3A_308 = arith.cmpi slt, %add3A_299, %sign3A_307 : i32
      %sign3A_309 = arith.extui %sign3A_308 : i1 to i32
      %sign3A_310 = arith.subi %sign3A_306, %sign3A_309 : i32
      %sign3A_311 = arith.constant 0 : i32
      %sign3A_312 = arith.cmpi sgt, %jit3A_302, %sign3A_311 : i32
      %sign3A_313 = arith.extui %sign3A_312 : i1 to i32
      %sign3A_314 = arith.constant 0 : i32
      %sign3A_315 = arith.cmpi slt, %jit3A_302, %sign3A_314 : i32
      %sign3A_316 = arith.extui %sign3A_315 : i1 to i32
      %sign3A_317 = arith.subi %sign3A_313, %sign3A_316 : i32
      %ne3A_318 = arith.cmpi ne, %sign3A_310, %sign3A_317 : i32
      %rem3A_319 = arith.remsi %add3A_299, %jit3A_302 : i32
      %ne3A_320 = arith.constant 0 : i32
      %ne3A_321 = arith.cmpi ne, %rem3A_319, %ne3A_320 : i32
      %and3A_322 = arith.andi %ne3A_318, %ne3A_321 : i1
      %sub3A_323 = arith.constant 1 : i32
      %sub3A_324 = arith.subi %div3A_303, %sub3A_323 : i32
      %select_n3A_325 = arith.select %and3A_322, %sub3A_324, %div3A_303 : i32
      %add3A_326 = arith.addi %mul3A_301, %select_n3A_325 : i32
      %jit3A_327 = arith.constant 32 : i32
      %div3A_328 = arith.divsi %add3A_326, %jit3A_327 : i32
      %sign3A_329 = arith.constant 0 : i32
      %sign3A_330 = arith.cmpi sgt, %add3A_326, %sign3A_329 : i32
      %sign3A_331 = arith.extui %sign3A_330 : i1 to i32
      %sign3A_332 = arith.constant 0 : i32
      %sign3A_333 = arith.cmpi slt, %add3A_326, %sign3A_332 : i32
      %sign3A_334 = arith.extui %sign3A_333 : i1 to i32
      %sign3A_335 = arith.subi %sign3A_331, %sign3A_334 : i32
      %sign3A_336 = arith.constant 0 : i32
      %sign3A_337 = arith.cmpi sgt, %jit3A_327, %sign3A_336 : i32
      %sign3A_338 = arith.extui %sign3A_337 : i1 to i32
      %sign3A_339 = arith.constant 0 : i32
      %sign3A_340 = arith.cmpi slt, %jit3A_327, %sign3A_339 : i32
      %sign3A_341 = arith.extui %sign3A_340 : i1 to i32
      %sign3A_342 = arith.subi %sign3A_338, %sign3A_341 : i32
      %ne3A_343 = arith.cmpi ne, %sign3A_335, %sign3A_342 : i32
      %rem3A_344 = arith.remsi %add3A_326, %jit3A_327 : i32
      %ne3A_345 = arith.constant 0 : i32
      %ne3A_346 = arith.cmpi ne, %rem3A_344, %ne3A_345 : i32
      %and3A_347 = arith.andi %ne3A_343, %ne3A_346 : i1
      %sub3A_348 = arith.constant 1 : i32
      %sub3A_349 = arith.subi %div3A_328, %sub3A_348 : i32
      %select_n3A_350 = arith.select %and3A_347, %sub3A_349, %div3A_328 : i32
      %mul3A_351 = arith.constant 8 : i32
      %mul3A_352 = arith.muli %select_n3A_350, %mul3A_351 : i32
      %jit3A_353 = arith.constant 8 : i32
      %eq3A_354 = arith.constant 0 : i32
      %eq3A_355 = arith.cmpi eq, %jit3A_353, %eq3A_354 : i32
      %jit3A_356 = arith.constant 1 : i32
      %select_n3A_357 = arith.select %eq3A_355, %jit3A_356, %jit3A_353 : i32
      %rem3A_358 = arith.remsi %add3A_299, %select_n3A_357 : i32
      %ne3A_359 = arith.constant 0 : i32
      %ne3A_360 = arith.cmpi ne, %rem3A_358, %ne3A_359 : i32
      %lt3A_361 = arith.constant 0 : i32
      %lt3A_362 = arith.cmpi slt, %rem3A_358, %lt3A_361 : i32
      %lt3A_363 = arith.constant 0 : i32
      %lt3A_364 = arith.cmpi slt, %select_n3A_357, %lt3A_363 : i32
      %ne3A_365 = arith.xori %lt3A_362, %lt3A_364 : i1
      %and3A_366 = arith.andi %ne3A_365, %ne3A_360 : i1
      %add3A_367 = arith.addi %rem3A_358, %select_n3A_357 : i32
      %select_n3A_368 = arith.select %and3A_366, %add3A_367, %rem3A_358 : i32
      %add3A_369 = arith.addi %mul3A_352, %select_n3A_368 : i32
      %mul3A_370 = arith.constant 4096 : i32
      %mul3A_371 = arith.muli %add3A_369, %mul3A_370 : i32
      %jit3A_372 = arith.constant 32 : i32
      %eq3A_373 = arith.constant 0 : i32
      %eq3A_374 = arith.cmpi eq, %jit3A_372, %eq3A_373 : i32
      %jit3A_375 = arith.constant 1 : i32
      %select_n3A_376 = arith.select %eq3A_374, %jit3A_375, %jit3A_372 : i32
      %rem3A_377 = arith.remsi %add3A_326, %select_n3A_376 : i32
      %ne3A_378 = arith.constant 0 : i32
      %ne3A_379 = arith.cmpi ne, %rem3A_377, %ne3A_378 : i32
      %lt3A_380 = arith.constant 0 : i32
      %lt3A_381 = arith.cmpi slt, %rem3A_377, %lt3A_380 : i32
      %lt3A_382 = arith.constant 0 : i32
      %lt3A_383 = arith.cmpi slt, %select_n3A_376, %lt3A_382 : i32
      %ne3A_384 = arith.xori %lt3A_381, %lt3A_383 : i1
      %and3A_385 = arith.andi %ne3A_384, %ne3A_379 : i1
      %add3A_386 = arith.addi %rem3A_377, %select_n3A_376 : i32
      %select_n3A_387 = arith.select %and3A_385, %add3A_386, %rem3A_377 : i32
      %mul3A_388 = arith.constant 128 : i32
      %mul3A_389 = arith.muli %select_n3A_387, %mul3A_388 : i32
      %add3A_390 = arith.addi %mul3A_371, %mul3A_389 : i32
      %dma_start3A_391 = arith.constant 0 : i32
      %dma_start3A_392 = tpu.memref_slice %arg4[%add3A_390, %dma_start3A_391] : memref<819200x128xf32, #tpu.memory_space<hbm>> -> memref<128x128xf32, #tpu.memory_space<hbm>>
      %dma_start3A_393 = arith.constant 0 : i32
      %dma_start3A_394 = tpu.memref_slice %arg4[%add3A_390, %dma_start3A_393] : memref<819200x128xf32, #tpu.memory_space<hbm>> -> memref<128x128xf32, #tpu.memory_space<hbm>>
      tpu.enqueue_dma source(%arg6 : memref<128x128xf32, #tpu.memory_space<vmem>>) target(%dma_start3A_394 : memref<128x128xf32, #tpu.memory_space<hbm>>) target_semaphore(%arg11 : memref<!tpu.dma_semaphore, #tpu.memory_space<semaphore_mem>>)
    }
    %scan3A_82 = arith.constant 99 : i32
    %dma_wait3A_83 = arith.constant 0 : i32
    %dma_wait3A_84 = arith.constant 0 : i32
    %dma_wait3A_85 = tpu.memref_slice %arg2[%dma_wait3A_83, %dma_wait3A_84] : memref<1000000x128xf32, #tpu.memory_space<hbm>> -> memref<128x128xf32, #tpu.memory_space<hbm>>
    %dma_wait3A_86 = arith.constant 0 : i32
    %dma_wait3A_87 = arith.constant 0 : i32
    %dma_wait3A_88 = tpu.memref_slice %arg2[%dma_wait3A_86, %dma_wait3A_87] : memref<1000000x128xf32, #tpu.memory_space<hbm>> -> memref<128x128xf32, #tpu.memory_space<hbm>>
    tpu.wait_dma2 semaphore(%arg9 : memref<!tpu.dma_semaphore, #tpu.memory_space<semaphore_mem>>) src(%dma_wait3A_88 : memref<128x128xf32, #tpu.memory_space<hbm>>) dst(%arg7 : memref<128x128xf32, #tpu.memory_space<vmem>>)
    %mul3A_89 = arith.constant 25 : i32
    %mul3A_90 = arith.muli %add3A, %mul3A_89 : i32
    %add3A_91 = arith.constant 24 : i32
    %add3A_92 = arith.addi %mul3A_90, %add3A_91 : i32
    %jit3A_93 = arith.constant 32 : i32
    %div3A_94 = arith.divsi %add3A_92, %jit3A_93 : i32
    %sign3A_95 = arith.constant 0 : i32
    %sign3A_96 = arith.cmpi sgt, %add3A_92, %sign3A_95 : i32
    %sign3A_97 = arith.extui %sign3A_96 : i1 to i32
    %sign3A_98 = arith.constant 0 : i32
    %sign3A_99 = arith.cmpi slt, %add3A_92, %sign3A_98 : i32
    %sign3A_100 = arith.extui %sign3A_99 : i1 to i32
    %sign3A_101 = arith.subi %sign3A_97, %sign3A_100 : i32
    %sign3A_102 = arith.constant 0 : i32
    %sign3A_103 = arith.cmpi sgt, %jit3A_93, %sign3A_102 : i32
    %sign3A_104 = arith.extui %sign3A_103 : i1 to i32
    %sign3A_105 = arith.constant 0 : i32
    %sign3A_106 = arith.cmpi slt, %jit3A_93, %sign3A_105 : i32
    %sign3A_107 = arith.extui %sign3A_106 : i1 to i32
    %sign3A_108 = arith.subi %sign3A_104, %sign3A_107 : i32
    %ne3A_109 = arith.cmpi ne, %sign3A_101, %sign3A_108 : i32
    %rem3A_110 = arith.remsi %add3A_92, %jit3A_93 : i32
    %ne3A_111 = arith.constant 0 : i32
    %ne3A_112 = arith.cmpi ne, %rem3A_110, %ne3A_111 : i32
    %and3A_113 = arith.andi %ne3A_109, %ne3A_112 : i1
    %sub3A_114 = arith.constant 1 : i32
    %sub3A_115 = arith.subi %div3A_94, %sub3A_114 : i32
    %select_n3A_116 = arith.select %and3A_113, %sub3A_115, %div3A_94 : i32
    %mul3A_117 = arith.constant 8 : i32
    %mul3A_118 = arith.muli %select_n3A_116, %mul3A_117 : i32
    %add3A_119 = arith.constant 7 : i32
    %add3A_120 = arith.addi %mul3A_118, %add3A_119 : i32
    %mul3A_121 = arith.constant 4096 : i32
    %mul3A_122 = arith.muli %add3A_120, %mul3A_121 : i32
    %jit3A_123 = arith.constant 32 : i32
    %eq3A_124 = arith.constant 0 : i32
    %eq3A_125 = arith.cmpi eq, %jit3A_123, %eq3A_124 : i32
    %jit3A_126 = arith.constant 1 : i32
    %select_n3A_127 = arith.select %eq3A_125, %jit3A_126, %jit3A_123 : i32
    %rem3A_128 = arith.remsi %add3A_92, %select_n3A_127 : i32
    %ne3A_129 = arith.constant 0 : i32
    %ne3A_130 = arith.cmpi ne, %rem3A_128, %ne3A_129 : i32
    %lt3A_131 = arith.constant 0 : i32
    %lt3A_132 = arith.cmpi slt, %rem3A_128, %lt3A_131 : i32
    %lt3A_133 = arith.constant 0 : i32
    %lt3A_134 = arith.cmpi slt, %select_n3A_127, %lt3A_133 : i32
    %ne3A_135 = arith.xori %lt3A_132, %lt3A_134 : i1
    %and3A_136 = arith.andi %ne3A_135, %ne3A_130 : i1
    %add3A_137 = arith.addi %rem3A_128, %select_n3A_127 : i32
    %select_n3A_138 = arith.select %and3A_136, %add3A_137, %rem3A_128 : i32
    %mul3A_139 = arith.constant 128 : i32
    %mul3A_140 = arith.muli %select_n3A_138, %mul3A_139 : i32
    %add3A_141 = arith.addi %mul3A_122, %mul3A_140 : i32
    %dma_start3A_142 = arith.constant 0 : i32
    %dma_start3A_143 = tpu.memref_slice %arg4[%add3A_141, %dma_start3A_142] : memref<819200x128xf32, #tpu.memory_space<hbm>> -> memref<128x128xf32, #tpu.memory_space<hbm>>
    %dma_start3A_144 = arith.constant 0 : i32
    %dma_start3A_145 = tpu.memref_slice %arg4[%add3A_141, %dma_start3A_144] : memref<819200x128xf32, #tpu.memory_space<hbm>> -> memref<128x128xf32, #tpu.memory_space<hbm>>
    tpu.enqueue_dma source(%arg7 : memref<128x128xf32, #tpu.memory_space<vmem>>) target(%dma_start3A_145 : memref<128x128xf32, #tpu.memory_space<hbm>>) target_semaphore(%arg12 : memref<!tpu.dma_semaphore, #tpu.memory_space<semaphore_mem>>)
    %dma_wait3A_146 = arith.constant 0 : i32
    %dma_wait3A_147 = arith.constant 0 : i32
    %dma_wait3A_148 = tpu.memref_slice %arg4[%dma_wait3A_146, %dma_wait3A_147] : memref<819200x128xf32, #tpu.memory_space<hbm>> -> memref<128x128xf32, #tpu.memory_space<hbm>>
    %dma_wait3A_149 = arith.constant 0 : i32
    %dma_wait3A_150 = arith.constant 0 : i32
    %dma_wait3A_151 = tpu.memref_slice %arg4[%dma_wait3A_149, %dma_wait3A_150] : memref<819200x128xf32, #tpu.memory_space<hbm>> -> memref<128x128xf32, #tpu.memory_space<hbm>>
    tpu.wait_dma2 semaphore(%arg11 : memref<!tpu.dma_semaphore, #tpu.memory_space<semaphore_mem>>) src(%dma_wait3A_151 : memref<128x128xf32, #tpu.memory_space<hbm>>) dst(%arg6 : memref<128x128xf32, #tpu.memory_space<vmem>>)
    %dma_wait3A_152 = arith.constant 0 : i32
    %dma_wait3A_153 = arith.constant 0 : i32
    %dma_wait3A_154 = tpu.memref_slice %arg4[%dma_wait3A_152, %dma_wait3A_153] : memref<819200x128xf32, #tpu.memory_space<hbm>> -> memref<128x128xf32, #tpu.memory_space<hbm>>
    %dma_wait3A_155 = arith.constant 0 : i32
    %dma_wait3A_156 = arith.constant 0 : i32
    %dma_wait3A_157 = tpu.memref_slice %arg4[%dma_wait3A_155, %dma_wait3A_156] : memref<819200x128xf32, #tpu.memory_space<hbm>> -> memref<128x128xf32, #tpu.memory_space<hbm>>
    tpu.wait_dma2 semaphore(%arg12 : memref<!tpu.dma_semaphore, #tpu.memory_space<semaphore_mem>>) src(%dma_wait3A_157 : memref<128x128xf32, #tpu.memory_space<hbm>>) dst(%arg7 : memref<128x128xf32, #tpu.memory_space<vmem>>)
    return
  }
}

module attributes {stable_mosaic.version = 14 : i64} {
  func.func @body(%arg0: i32, %arg1: memref<64x16384xf32, #tpu.memory_space<vmem>>, %arg2: memref<16384x128xf32, #tpu.memory_space<vmem>>) attributes {dimension_semantics = [#tpu.dimension_semantics<arbitrary>], iteration_bounds = array<i64: 62>, scalar_prefetch = 0 : i64, scratch_operands = 0 : i64, tpu.core_type = #tpu.core_type<tc>, window_params = [{transform_indices = @transform_0, window_bounds = array<i64: 64, 16384>}, {transform_indices = @transform_1, window_bounds = array<i64: 16384, 128>}]} {
    %get3A = arith.constant 0 : index
    %get3A_0 = arith.constant 0 : index
    %get3A_1 = vector.load %arg1[%get3A, %get3A_0] : memref<64x16384xf32, #tpu.memory_space<vmem>>, vector<64x16384xf32>
    %transpose3A = tpu.transpose %get3A_1, [1, 0] : vector<64x16384xf32> -> vector<16384x64xf32>
    %swap3A = arith.constant 0 : index
    %swap3A_2 = arith.constant 0 : index
    %swap3A_3 = vector.load %arg2[%swap3A, %swap3A_2] : memref<16384x128xf32, #tpu.memory_space<vmem>>, vector<16384x64xf32>
    tpu.vector_store %arg2[%swap3A, %swap3A_2], %transpose3A {strides = array<i32>} : memref<16384x128xf32, #tpu.memory_space<vmem>>, vector<16384x64xf32>,
    return
  }
  func.func @transform_0(%arg0: i32) -> (i32, i32) {
    %c0_i32 = arith.constant 0 : i32
    %c0_i32_0 = arith.constant 0 : i32
    return %c0_i32, %arg0 : i32, i32
  }
  func.func @transform_1(%arg0: i32) -> (i32, i32) {
    %c0_i32 = arith.constant 0 : i32
    %c0_i32_0 = arith.constant 0 : i32
    return %arg0, %c0_i32 : i32, i32
  }
}

module attributes {stable_mosaic.version = 14 : i64} {
  func.func @body(%arg0: i32, %arg1: i32, %arg2: memref<4096x128xf32, #tpu.memory_space<vmem>>, %arg3: memref<1x64x4096xf32, #tpu.memory_space<vmem>>) attributes {dimension_semantics = [#tpu.dimension_semantics<arbitrary>, #tpu.dimension_semantics<arbitrary>], iteration_bounds = array<i64: 200, 1>, scalar_prefetch = 0 : i64, scratch_operands = 0 : i64, tpu.core_type = #tpu.core_type<tc>, window_params = [{transform_indices = @transform_0, window_bounds = array<i64: 4096, 128>}, {transform_indices = @transform_1, window_bounds = array<i64: 1, 64, 4096>}]} {
    %get3A = arith.constant 0 : index
    %get3A_0 = arith.constant 0 : index
    %get3A_1 = vector.load %arg2[%get3A, %get3A_0] : memref<4096x128xf32, #tpu.memory_space<vmem>>, vector<4096x128xf32>
    %transpose3A = tpu.transpose %get3A_1, [1, 0] : vector<4096x128xf32> -> vector<128x4096xf32>
    %slice3A = vector.extract_strided_slice %transpose3A {offsets = [0, 0], sizes = [64, 4096], strides = [1, 1]} : vector<128x4096xf32> to vector<64x4096xf32>
    %reshape3A = vector.shape_cast %slice3A : vector<64x4096xf32> to vector<1x64x4096xf32>
    %swap3A = arith.constant 0 : index
    %swap3A_2 = arith.constant 0 : index
    %swap3A_3 = arith.constant 0 : index
    %swap3A_4 = vector.load %arg3[%swap3A, %swap3A_2, %swap3A_3] : memref<1x64x4096xf32, #tpu.memory_space<vmem>>, vector<1x64x4096xf32>
    tpu.vector_store %arg3[%swap3A, %swap3A_2, %swap3A_3], %reshape3A {strides = array<i32>} : memref<1x64x4096xf32, #tpu.memory_space<vmem>>, vector<1x64x4096xf32>,
    return
  }
  func.func @transform_0(%arg0: i32, %arg1: i32) -> (i32, i32) {
    %mul3A = arith.constant 1 : i32
    %mul3A_0 = arith.muli %arg0, %mul3A : i32
    %add3A = arith.addi %mul3A_0, %arg1 : i32
    %c0_i32 = arith.constant 0 : i32
    %c0_i32_1 = arith.constant 0 : i32
    return %add3A, %c0_i32 : i32, i32
  }
  func.func @transform_1(%arg0: i32, %arg1: i32) -> (i32, i32, i32) {
    %c0_i32 = arith.constant 0 : i32
    %c0_i32_0 = arith.constant 0 : i32
    return %arg0, %c0_i32, %arg1 : i32, i32, i32
  }
}

</mosaic_0001>

<sc_bundles>
// kernel: kernel.5.cloned.1.call-start
scs
__scs_entry_jumppad:
0x0: {  	(pc) =	sbr.rel $0x88, $3  }
0x1: {  	(tag) =	ssettag $0x0;
	lr =	simm.s32 $0x1  }
0x2: {  	[smem:$0x3F9F] =	sst lr;
	_ =	strace $0xD0000000  }
0x3: {  	_ = 	snop  }
0x4: {  	_ = 	snop  }
0x5: {  	_ = 	snop  }
0x6: {  	_ = 	snop  }
0x7: {  	_ = 	snop  }
__scs_overlays_trampoline_lowered:
0x8: {  	[smem:$0x3FAE] =	sst s0  }
0x9: {  	[smem:$0x3FAF] =	sst s1  }
0xa: {  	[smem:$0x3FB0] =	sst s2  }
0xb: {  	[smem:$0x3FB1] =	sst s3  }
0xc: {  	[smem:$0x3FB2] =	sst s4  }
0xd: {  	[smem:$0x3FB3] =	sst s5  }
0xe: {  	[smem:$0x3FB4] =	sst s6  }
0xf: {  	[smem:$0x3FB5] =	sst s7  }
0x10: {  	[smem:$0x3FB6] =	sst s8  }
0x11: {  	[smem:$0x3FB7] =	sst s9;
	s0 =	simm.s32 @!p0 $0x0  }
0x12: {  	s1 =	sld [smem:$0x3F9D];
	s0 =	simm.s32 @p0 $0x1  }
0x13: {  	[smem:$0x3FB8] =	sst s0;
	s0 =	simm.s32 @!p1 $0x0  }
0x14: {  	s2 =	sld [smem:$0x3F9C];
	s0 =	simm.s32 @p1 $0x1  }
0x15: {  	[smem:$0x3FB9] =	sst s0;
	s0 =	simm.s32 @!p2 $0x0  }
0x16: {  	s3 =	sld [smem:$0x3FDB];
	s0 =	simm.s32 @p2 $0x1  }
0x17: {  	s4 =	simm.s32 $0x1BF5;
	[smem:$0x3FBB] =	sst s0  }
0x18: {  	s0 =	sld [smem:$0x3F9E];
	_ =	swait.ge [sflag:s4], $0x0  }
0x19: {  	s7 =	sld [smem:$0x3F9F]  }
0x1a: {  	s8 =	sadd.s32 $0xFFFFE003, lr  }
0x1b: {  	s9 =	sadd.s32 $0xFFFFFEF7, lr;
	s5 =	simm.s32 $0xFFFFFFFF;
	p2 =	slt.u32 s8, $0xFFFFF086  }
0x1c: {  	p1 =	slt.u32 s9, $0xF7A;
	s5 =	simm.s32 @!p2 $0x0  }
0x1d: {  	s5 =	simm.s32 @p1 $0x1;
	p0 =	seq.s32 s7, s2  }
0x1e: {  	s7 =	smul.u32 @!p0 $0xF7A, s2;
	p2 =	seq.s32 @!p0 s5, $0x0  }
0x1f: {  	s9 =	smul.u32 $0xF7A, s1;
	s8 =	simm.s32 @!p0 $0x1BF5;
	p2 =	por !p2, p0  }
0x20: {  	[sflag:s8] =	ssyncset.s32 @!p0 $0xFFFFF086;
	s6 =	sadd.s32 @!p0 s3, s7;
	s7 =	simm.s32 @!p0 $0x108  }
0x21: {  	s3 =	sadd.s32 s3, s9;
	s6 =	sadd.s32 @!p0 $0x88, s6;
	s7 =	simm.s32 @p2 $0x1082  }
0x22: {  	[simem:s7], [sflag:s8] =	dma.local @!p0 [hbm:s6], $0xF7A  }
0x23: {  	s9 =	sor.u32 $0xD0000000, s2;
	s6 =	simm.s32 $0x108;
	_ =	swait.ge @!p0 [sflag:s8], $0x0  }
0x24: {  	s3 =	sadd.s32 $0x88, s3;
	s6 =	simm.s32 @!p1 $0x1082;
	[sflag:s4] =	ssyncset.s32 $0xFFFFF086  }
0x25: {  	[simem:s6], [sflag:s4] =	dma.local [hbm:s3], $0xF7A  }
0x26: {  	[smem:$0x3F9F] =	sst s1;
	(tag) =	ssettag s2;
	_ =	strace s9  }
0x27: {  	s1 =	sld [smem:$0x3FAF]  }
0x28: {  	s2 =	sld [smem:$0x3FB0]  }
0x29: {  	s4 =	sld [smem:$0x3FB2]  }
0x2a: {  	p0 =	seq.s32 s5, $0x0;
	s5 =	sld [smem:$0x3FB3]  }
0x2b: {  	s6 =	sld [smem:$0x3FB4]  }
0x2c: {  	s7 =	sld [smem:$0x3FB5]  }
0x2d: {  	s3 =	simm.s32 $0x108;
	s8 =	sld [smem:$0x3FB6]  }
0x2e: {  	s3 =	simm.s32 @!p0 $0x1082;
	s9 =	sld [smem:$0x3FB7]  }
0x2f: {  	lr =	sadd.s32 s0, s3;
	s0 =	sld [smem:$0x3FAE]  }
0x30: {  	s3 =	sld [smem:$0x3FB1]  }
0x31: {  	[smem:$0x3FBA] =	sst s10  }
0x32: {  	s10 =	sld [smem:$0x3FB8];
	_ =	sdelay $0x3  }
0x33: {  	p0 =	seq.s32 s10, $0x1;
	s10 =	sld [smem:$0x3FBA];
	_ =	sdelay $0x3  }
0x34: {  	[smem:$0x3FBA] =	sst s10  }
0x35: {  	s10 =	sld [smem:$0x3FB9];
	_ =	sdelay $0x3  }
0x36: {  	p1 =	seq.s32 s10, $0x1;
	s10 =	sld [smem:$0x3FBA];
	_ =	sdelay $0x3  }
0x37: {  	[smem:$0x3FBA] =	sst s10  }
0x38: {  	s10 =	sld [smem:$0x3FBB]  }
0x39: {  	_ = 	snop;
	(pc) =	sbr.ind lr, $3  }
0x3a: {  	_ = 	snop  }
0x3b: {  	_ = 	snop  }
0x3c: {  	p2 =	seq.s32 s10, $0x1;
	s10 =	sld [smem:$0x3FBA]  }
0x3d: {  	_ =	shalt  }
0x3e: {  	_ =	shalt  }
0x3f: {  	_ =	shalt  }
0x40: {  	_ =	shalt  }
0x41: {  	_ =	shalt  }
0x42: {  	_ =	shalt  }
0x43: {  	_ =	shalt  }
0x44: {  	_ =	shalt  }
0x45: {  	_ =	shalt  }
0x46: {  	_ =	shalt  }
0x47: {  	_ =	shalt  }
0x48: {  	_ =	shalt  }
0x49: {  	_ =	shalt  }
0x4a: {  	_ =	shalt  }
0x4b: {  	_ =	shalt  }
0x4c: {  	_ =	shalt  }
0x4d: {  	_ =	shalt  }
0x4e: {  	_ =	shalt  }
0x4f: {  	_ =	shalt  }
0x50: {  	_ =	shalt  }
0x51: {  	_ =	shalt  }
0x52: {  	_ =	shalt  }
0x53: {  	_ =	shalt  }
0x54: {  	_ =	shalt  }
0x55: {  	_ =	shalt  }
0x56: {  	_ =	shalt  }
0x57: {  	_ =	shalt  }
0x58: {  	_ =	shalt  }
0x59: {  	_ =	shalt  }
0x5a: {  	_ =	shalt  }
0x5b: {  	_ =	shalt  }
0x5c: {  	_ =	shalt  }
0x5d: {  	_ =	shalt  }
0x5e: {  	_ =	shalt  }
0x5f: {  	_ =	shalt  }
0x60: {  	_ =	shalt  }
0x61: {  	_ =	shalt  }
0x62: {  	_ =	shalt  }
0x63: {  	_ =	shalt  }
0x64: {  	_ =	shalt  }
0x65: {  	_ =	shalt  }
0x66: {  	_ =	shalt  }
0x67: {  	_ =	shalt  }
0x68: {  	_ =	shalt  }
0x69: {  	_ =	shalt  }
0x6a: {  	_ =	shalt  }
0x6b: {  	_ =	shalt  }
0x6c: {  	_ =	shalt  }
0x6d: {  	_ =	shalt  }
0x6e: {  	_ =	shalt  }
0x6f: {  	_ =	shalt  }
0x70: {  	_ =	shalt  }
0x71: {  	_ =	shalt  }
0x72: {  	_ =	shalt  }
0x73: {  	_ =	shalt  }
0x74: {  	_ =	shalt  }
0x75: {  	_ =	shalt  }
0x76: {  	_ =	shalt  }
0x77: {  	_ =	shalt  }
0x78: {  	_ =	shalt  }
0x79: {  	_ =	shalt  }
0x7a: {  	_ =	shalt  }
0x7b: {  	_ =	shalt  }
0x7c: {  	_ =	shalt  }
0x7d: {  	_ =	shalt  }
0x7e: {  	_ =	shalt  }
0x7f: {  	_ =	shalt  }
0x80: {  	_ =	shalt  }
0x81: {  	_ =	shalt  }
0x82: {  	_ =	shalt  }
0x83: {  	_ =	shalt  }
0x84: {  	_ =	shalt  }
0x85: {  	_ =	shalt  }
0x86: {  	_ =	shalt  }
0x87: {  	_ =	shalt  }
.Lfunc_end0:
.L_simem_size_0:
called_computation_lowered:
.L_overlay_start_0:
0x88: {  	s2 =	sld [smem:$0x3FD9]  }
0x89: {  	s3 =	sld [smem:$0x3FFE];
	_ =	sdelay $0x1  }
0x8a: {  	s1 =	srdreg.scid  }
0x8b: {  	s0 =	sand.u32 $0x1, s1  }
0x8c: {  	s17 =	sshll.u32 s0, $0xA;
	s2 =	sadd.s32 s3, s2  }
0x8d: {  	s2 =	sadd.s32 s2, s17  }
0x8e: {  	[smem:$0x3FC6] =	sst s2  }
0x8f: {  	_ = 	snop  }
0x90: {  	s2 =	sld [smem:$0x3FC9];
	(tm) =	ssettm $0x1  }
0x91: {  	s18 =	sld [smem:$0x3FFB];
	_ =	sdelay $0x3  }
0x92: {  	_ =	strace s18  }
0x93: {  	s3 =	sld [smem:$0x3FFC];
	_ =	sdelay $0x3  }
0x94: {  	_ =	strace s3  }
0x95: {  	s3 =	sld [smem:$0x3FFD];
	_ =	sdelay $0x3  }
0x96: {  	_ =	strace s3  }
0x97: {  	_ =	strace $0x8FFFFFFF  }
0x98: {  	s19 =	sld [smem:$0x3FDB];
	_ =	sdelay $0x1  }
0x99: {  	s4 =	simm.s32 $_scs_section_size  }
0x9a: {  	s5 =	simm.s32 $_size__tile_overlayer_lowered;
	s6 =	simm.s32 $_tile_overlayer_lowered  }
0x9b: {  	s22 =	simm.s32 $0x1BFF;
	s21 =	sshll.u32 s6, $0x1;
	s3 =	sadd.s32 s4, s19  }
0x9c: {  	s7 =	simm.s32 $0x0;
	s20 =	sshll.u32 s5, $0x1;
	s5 =	sadd.s32 s21, s3  }
0x9d: {  	[timem:s7], [sflag:s22] =	dma.local [hbm:s5], s20  }
0x9e: {  	_ =	swait.ge [sflag:s22], s20  }
0x9f: {  	s4 =	ssub.s32 $0x0, s20;
	[sflag:s22] =	ssyncset.done $0x0  }
0xa0: {  	[sflag:s22] =	ssyncadd.s32 s4;
	_ =	sdelay $0x1  }
0xa1: {  	s23 =	simm.s32 $0x1B8B  }
0xa2: {  	_ =	swait.ge [sflag:s23], $0x1  }
0xa3: {  	[sflag:s23] =	ssyncset.done $0x0  }
0xa4: {  	s25 =	simm.s32 $0x1B8E;
	s24 =	sld [smem:$0x3FFE];
	[sflag:s23] =	ssyncadd.s32 $0xFFFFFFFF  }
0xa5: {  	s26 =	simm.s32 $execute0_lowered;
	[smem:$0x3FD2] =	sst s25  }
0xa6: {  	s5 =	sshll.u32 s26, $0x1;
	_ =	strace $0x80000046;
	[dreg:$0x1] =	wrdreg $0xFFFFFFFF  }
0xa7: {  	s28 =	simm.s32 $_size_execute0_lowered;
	s3 =	sadd.s32 s3, s5;
	[dreg:$0x0] =	wrdreg $0x0  }
0xa8: {  	s5 =	sshll.u32 s28, $0x1;
	[dreg:$0x2] =	wrdreg s3  }
0xa9: {  	[dreg:$0x3] =	wrdreg s5  }
0xaa: {  	[dreg:$0x4] =	wrdreg $0xC0  }
0xab: {  	_ =	task [dreg:s7], $0x5FFFF  }
0xac: {  	[dreg:$0x1] =	wrdreg $0xFFFFFFFF  }
0xad: {  	[dreg:$0x0] =	wrdreg $0x60  }
0xae: {  	[dreg:$0x2] =	wrdreg s24  }
0xaf: {  	[dreg:$0x3] =	wrdreg s2  }
0xb0: {  	[dreg:$0x4] =	wrdreg $0x9  }
0xb1: {  	_ =	task.clear_ibuf [dreg:s7], $0x5FFFF;
	_ =	strace $0x90000046  }
0xb2: {  	s29 =	simm.s32 $0x9;
	_ =	strace $0x80000048  }
0xb3: {  	_ =	swait.ge [sflag:s29], $0x1  }
0xb4: {  	[sflag:s29] =	ssyncadd.s32 $0xFFFFFFFF  }
0xb5: {  	_ =	strace $0x90000048  }
0xb6: {  	_ =	sfence  }
0xb7: {  	s30 =	sld [smem:$0x0];
	_ =	sdelay $0x2  }
0xb8: {  	s31 =	sshll.u32 s1, $0xD;
	s1 =	sshrl.u32 s1, $0x2  }
0xb9: {  	s3 =	sand.u32 $0x4000, s31;
	s1 =	sadd.s32 s1, s30  }
0xba: {  	s0 =	sor.u32 s3, s0;
	s1 =	sshll.u32 s1, $0x11  }
0xbb: {  	s0 =	sor.u32 s1, s0  }
0xbc: {  	s0 =	sadd.s32 $0x8F2B, s0  }
0xbd: {  	[sflag:s0] =	ssyncadd.remote.s32 $0x1  }
0xbe: {  	_ =	sfence.sel $0xFFFF  }
0xbf: {  	[dreg:$0x0] =	wrdreg $0xFFFFFFFF;
	(pc) =	sbr.abs _section_cstart, $3  }
0xc0: {  	[dreg:$0x1] =	wrdreg $0xFFFFFFFF  }
0xc1: {  	_ =	task.clear_ibuf [dreg:s7], $0x2FFFF;
	_ =	strace $0x9FFFFFFF  }
0xc2: {  	(tm) =	ssettm $0x7FFFFFFF  }
0xc3: {  	_ =	shalt  }
tec
execute0_lowered:
.L_overlay_start_1:
0x0: {  	(tag) =	ssettag $0x1  }
0x1: {  	s1 =	srdreg.scid  }
0x2: {  	s0 =	stileid.u32;
	s7 =	rddreg [dreg:$0x0]  }
0x3: {  	s9 =	rddreg [dreg:$0x1];
	s2 =	simm.s32 $0x0;
	s14 =	simm.s32 $0x1  }
0x4: {  	s15 =	simm.s32 $0x4;
	s16 =	simm.s32 $0x2;
	s17 =	simm.s32 $0x5  }
0x5: {  	s8 =	sand.u32 $0x1, s1;
	s26 =	sshll.u32 s0, $0x1;
	s13 =	smul.u32 $0x1900, s0  }
0x6: {  	s1 =	rddreg [dreg:$0x2];
	s4 =	sor.u32 s8, s26;
	s30 =	smul.u32 $0xC80, s8  }
0x7: {  	s18 =	simm.s32 $0x0;
	[smem:$0x7FF] =	sst s2;
	s5 =	smul.u32 $0x320000, s4  }
0x8: {  	s3 =	sadd.s32 $0x400, s7;
	s10 =	ssub.s32 $0x2, s8;
	s6 =	smul.u32 $0x64000, s4  }
0x9: {  	_ =	strace $0x80000047;
	s4 =	smul.u32 $0x19, s4;
	s12 =	sshrl.u32 s10, $0x1  }
0xa: {  	s9 =	sadd.s32 s13, s9;
	s13 =	simm.s32 $0xA400;
	s10 =	ssub.s32 s10, s12  }
0xb: {  	s9 =	sadd.s32 s30, s9;
	s11 =	sand.u32 $0x7C00000, s5;
	s6 =	sand.u32 $0x7C000, s6  }
0xc: {  	s5 =	sadd.s32 $0xF42800, s7;
	s28 =	sadd.s32 $0x18, s4;
	s7 =	sadd.s32 $0xF52800, s7  }
0xd: {  	s6 =	sor.u32 s6, s11;
	s29 =	sshll.u32 s28, $0xE;
	s11 =	sshll.u32 s28, $0xB  }
0xe: {  	s8 =	smax.u32 s10, $0x1;
	s12 =	sand.u32 $0x1F80000, s29;
	s11 =	sand.u32 $0xF800, s11  }
0xf: {  	s10 =	simm.s32 $0x3;
	s6 =	sshrl.u32 s6, $0x3;
	s11 =	sor.u32 s11, s12  }
0x10: {  	[dreg:$0x3] =	wrdreg s7;
	s6 =	sadd.s32 s5, s6;
	s31 =	sadd.s32 s11, s5  }
0x11: {  	s12 =	simm.s32 $0x6400;
	s11 =	simm.s32 $0x80;
	s7 =	sadd.s32 $0x70000, s31  }
.LBB2_1:
0x12: {  	s19 =	simm.s32 $0x80  }
0x13: {  	s22 =	sadd.s32 $0x0, s9;
	s20 =	simm.s32 $0x400;
	s21 =	simm.s32 $0x0  }
.LBB2_2:
0x14: {  	[tilespmem:s21], [sflag:$0x3] =	stream.linear.gather [hbm4b:s22+s2], $0x400, $0x38;
	[tilespmem:$0xE400] =	vst v63  }
0x15: {  	s22 =	smov.u32 s19;
	s21 =	smov.u32 s20;
	p0 =	sne.s32 s19, $0xC00  }
.Ltmp0:
0x16: {  	s19 =	sadd.s32 $0x80, s19;
	(pc) =	sbr.rel @p0 .LBB2_2-.Ltmp0, $2  }
0x17: {  	_ =	sdelay $0x2  }
0x18: {  	s20 =	sadd.s32 $0x400, s20;
	s22 =	sadd.s32 s22, s9  }
0x19: {  	[tilespmem:s21], [sflag:$0x3] =	stream.linear.gather [hbm4b:s22+s2], $0x400, $0x38;
	[tilespmem:$0xE400] =	vst v63  }
0x1a: {  	_ =	swait.ge [sflag:s10], $0x6400  }
0x1b: {  	[sflag:s10] =	ssyncset.done $0x0  }
0x1c: {  	s19 =	simm.s32 $0x0;
	[sflag:s10] =	ssyncadd.s32 $0xFFFF9C00  }
0x1d: {  	[tilespmem:s12], [sflag:$0x1] =	stream.indirect.gather [hbm4b:s3+s11], $0x80, s19, s11, $0xb8;
	[tilespmem:$0xE400] =	vst v63  }
0x1e: {  	_ = 	snop  }
0x1f: {  	[tilespmem:s13], [sflag:$0x2] =	stream.indirect.gather [hbm4b:s3+s11], $0x80, s11, s11, $0xb8;
	[tilespmem:$0xE400] =	vst v63  }
0x20: {  	_ =	swait.ge [sflag:s14], $0x4000  }
0x21: {  	[sflag:s14] =	ssyncset.done $0x0  }
0x22: {  	[sflag:s14] =	ssyncadd.s32 $0xFFFFC000  }
0x23: {  	[hbm4b:s6+s19] =	stream.linear.scatter [tilespmem:s12], [sflag:$0x4], $0x4000, $0x38;
	[tilespmem:$0xE400] =	vst v63  }
0x24: {  	s20 =	simm.s32 $0x100;
	_ =	swait.ge [sflag:s15], $0x4000  }
0x25: {  	s26 =	sadd.s32 $0x0, s4;
	s28 =	simm.s32 $0x0;
	[sflag:s15] =	ssyncset.done $0x0  }
0x26: {  	s23 =	simm.s32 $0x180;
	s29 =	simm.s32 $0x20000;
	[sflag:s15] =	ssyncadd.s32 $0xFFFFC000  }
0x27: {  	[tilespmem:s12], [sflag:$0x1] =	stream.indirect.gather [hbm4b:s3+s11], $0x80, s20, s11, $0xb8;
	[tilespmem:$0xE400] =	vst v63  }
0x28: {  	s24 =	sshll.u32 s26, $0xE;
	s22 =	sand.u32 $0x60000, s28;
	_ =	swait.ge [sflag:s16], $0x4000  }
0x29: {  	s21 =	sshll.u32 s26, $0xB;
	s30 =	sand.u32 $0x60000, s29;
	s25 =	rddreg [dreg:$0x3]  }
0x2a: {  	s24 =	sand.u32 $0xFF80000, s24;
	[sflag:s16] =	ssyncset.done $0x0;
	s20 =	sadd.s32 s22, s25  }
0x2b: {  	s21 =	sand.u32 $0xF800, s21;
	[sflag:s16] =	ssyncadd.s32 $0xFFFFC000;
	s20 =	sadd.s32 s24, s20  }
0x2c: {  	s22 =	simm.s32 $0x280;
	s25 =	sadd.s32 $0x0, s4;
	s20 =	sadd.s32 s21, s20  }
0x2d: {  	[hbm4b:s20+s2] =	stream.linear.scatter [tilespmem:s13], [sflag:$0x5], $0x4000, $0x38;
	[tilespmem:$0xE400] =	vst v63  }
0x2e: {  	s26 =	sshll.u32 s25, $0xE;
	s25 =	sshll.u32 s25, $0xB;
	_ =	swait.ge [sflag:s17], $0x4000  }
0x2f: {  	s21 =	simm.s32 $0x40000;
	s31 =	sand.u32 $0xFF80000, s26;
	[sflag:s17] =	ssyncset.done $0x0  }
0x30: {  	s25 =	sand.u32 $0xF800, s25;
	s20 =	simm.s32 $0x4;
	[sflag:s17] =	ssyncadd.s32 $0xFFFFC000  }
0x31: {  	[tilespmem:s13], [sflag:$0x2] =	stream.indirect.gather [hbm4b:s3+s11], $0x80, s23, s11, $0xb8;
	[tilespmem:$0xE400] =	vst v63  }
0x32: {  	s24 =	sadd.s32 s5, s25;
	s23 =	sor.u32 s31, s30;
	_ =	swait.ge [sflag:s14], $0x4000  }
.LBB2_4:
0x33: {  	[sflag:s14] =	ssyncset.done $0x0;
	s23 =	sadd.s32 s23, s24  }
0x34: {  	s19 =	sadd.s32 $0x1, s19;
	s24 =	smov.u32 s20;
	s25 =	smov.u32 s21  }
0x35: {  	s26 =	smov.u32 s22;
	p0 =	sne.s32 s20, $0xC6;
	[sflag:s14] =	ssyncadd.s32 $0xFFFFC000  }
0x36: {  	[hbm4b:s23+s2] =	stream.linear.scatter [tilespmem:s12], [sflag:$0x4], $0x4000, $0x38;
	[tilespmem:$0xE400] =	vst v63  }
0x37: {  	s20 =	sadd.s32 $0x2, s20;
	s30 =	sadd.s32 $0xFFFFFF80, s22;
	_ =	swait.ge [sflag:s15], $0x4000  }
0x38: {  	s28 =	sadd.s32 $0xFFFE0000, s21;
	s21 =	sadd.s32 $0x20000, s21;
	[sflag:s15] =	ssyncset.done $0x0  }
0x39: {  	s22 =	sadd.s32 $0x100, s22;
	s31 =	sshrl.u32 s19, $0x2;
	[sflag:s15] =	ssyncadd.s32 $0xFFFFC000  }
0x3a: {  	[tilespmem:s12], [sflag:$0x1] =	stream.indirect.gather [hbm4b:s3+s11], $0x80, s30, s11, $0xb8;
	[tilespmem:$0xE400] =	vst v63  }
0x3b: {  	s28 =	sand.u32 $0x60000, s28;
	s23 =	sadd.s32 s4, s31;
	_ =	swait.ge [sflag:s16], $0x4000  }
0x3c: {  	s24 =	sshrl.u32 s24, $0x3;
	s29 =	sshll.u32 s23, $0xE;
	s30 =	rddreg [dreg:$0x3]  }
0x3d: {  	s23 =	sshll.u32 s23, $0xB;
	s29 =	sand.u32 $0xFF80000, s29;
	s28 =	sadd.s32 s28, s30  }
0x3e: {  	s23 =	sand.u32 $0xF800, s23;
	[sflag:s16] =	ssyncset.done $0x0;
	s28 =	sadd.s32 s29, s28  }
0x3f: {  	[sflag:s16] =	ssyncadd.s32 $0xFFFFC000;
	s29 =	sand.u32 $0x60000, s25;
	s23 =	sadd.s32 s23, s28  }
0x40: {  	[hbm4b:s23+s2] =	stream.linear.scatter [tilespmem:s13], [sflag:$0x5], $0x4000, $0x38;
	[tilespmem:$0xE400] =	vst v63  }
.Ltmp1:
0x41: {  	s28 =	sadd.s32 s4, s24;
	_ =	swait.ge [sflag:s17], $0x4000;
	(pc) =	sbr.rel @p0 .LBB2_4-.Ltmp1, $4  }
0x42: {  	s30 =	sshll.u32 s28, $0xE;
	s23 =	sshll.u32 s28, $0xB;
	[sflag:s17] =	ssyncset.done $0x0  }
0x43: {  	s25 =	sand.u32 $0xFF80000, s30;
	s31 =	sand.u32 $0xF800, s23;
	[sflag:s17] =	ssyncadd.s32 $0xFFFFC000  }
0x44: {  	[tilespmem:s13], [sflag:$0x2] =	stream.indirect.gather [hbm4b:s3+s11], $0x80, s26, s11, $0xb8;
	[tilespmem:$0xE400] =	vst v63  }
0x45: {  	s23 =	sor.u32 s25, s29;
	s24 =	sadd.s32 s5, s31;
	_ =	swait.ge [sflag:s14], $0x4000  }
0x46: {  	[sflag:s14] =	ssyncset.done $0x0  }
0x47: {  	s19 =	sadd.s32 s23, s24;
	[sflag:s14] =	ssyncadd.s32 $0xFFFFC000  }
0x48: {  	[hbm4b:s19+s2] =	stream.linear.scatter [tilespmem:s12], [sflag:$0x4], $0x4000, $0x38;
	[tilespmem:$0xE400] =	vst v63  }
0x49: {  	_ =	swait.ge [sflag:s16], $0x4000  }
0x4a: {  	[sflag:s16] =	ssyncset.done $0x0  }
0x4b: {  	s18 =	sadd.s32 $0x1, s18;
	[sflag:s16] =	ssyncadd.s32 $0xFFFFC000  }
0x4c: {  	[hbm4b:s7+s2] =	stream.linear.scatter [tilespmem:s13], [sflag:$0x5], $0x4000, $0x38;
	[tilespmem:$0xE400] =	vst v63  }
0x4d: {  	p0 =	sne.s32 s18, s8;
	_ =	swait.ge [sflag:s15], $0x4000  }
.Ltmp2:
0x4e: {  	[sflag:s15] =	ssyncset.done $0x0;
	(pc) =	sbr.rel @p0 .LBB2_1-.Ltmp2, $4  }
0x4f: {  	[sflag:s15] =	ssyncadd.s32 $0xFFFFC000  }
0x50: {  	_ =	swait.ge [sflag:s17], $0x4000  }
0x51: {  	[sflag:s17] =	ssyncset.done $0x0  }
0x52: {  	[sflag:s17] =	ssyncadd.s32 $0xFFFFC000  }
0x53: {  	_ =	sfence.sel $0x180000  }
0x54: {  	[bflag:$0x0] =	sbarrier.arrive $0xFFFF  }
0x55: {  	p0 =	sne.s32 s0, $0x0;
	_ =	strace $0x90000047  }
0x56: {  	s0 =	sadd.s32 @!p0 $0x100000, s1;
	[bflag:$0x2] =	sbarrier.arrive $0xFFFF  }
0x57: {  	[sflag:s0] =	ssyncadd.tile.s32 @!p0 $0x1;
	_ =	shalt  }
.Lfunc_end2:
_tile_overlayer_lowered:
.L_overlay_start_2:
0x58: {  	(tag) =	ssettag $0x2  }
0x59: {  	s0 =	rddreg [dreg:$0x0];
	s2 =	stileid.u32  }
0x5a: {  	s1 =	rddreg [dreg:$0x1];
	p0 =	sne.s32 s2, $0x0  }
0x5b: {  	s3 =	rddreg [dreg:$0x2];
	[bflag:$0x3] =	sbarrier.arrive $0xFFFF;
	s2 =	simm.s32 @!p0 $0x1C06  }
0x5c: {  	[timem:s3], [sflag:s2] =	dma.local @!p0 [hbm:s0], s1  }
0x5d: {  	s0 =	simm.s32 @!p0 $0x6  }
0x5e: {  	_ =	swait.ge @!p0 [sflag:s0], s1  }
0x5f: {  	s1 =	ssub.s32 @!p0 $0x0, s1;
	[sflag:s0] =	ssyncset.done @!p0 $0x0  }
0x60: {  	[sflag:s0] =	ssyncadd.s32 @!p0 s1  }
0x61: {  	[bflag:$0x3] =	sbarrier.arrive $0xFFFF  }
0x62: {  	_ =	shalt  }

</sc_bundles>
